<compile_context>
chip_gen: v7x
topology: tpu7x:2x2x1
jax: 0.10.2.dev20260603
libtpu: 0.0.44.dev20260713+nightly
codegen_flags: <defaults>
</compile_context>

<pallas_src>
import jax
import jax.numpy as jnp
from jax import lax
from jax.experimental import pallas as pl
from jax.experimental.pallas import tpu as pltpu
from jax.experimental.pallas import tpu_sc as plsc

B = 128
V = 16
D = 256
NC = 2
NS = 16
NW = NC * NS
BPW = B // NW


def _node_to_edge_body(hv_hbm, out_hbm, hv_v, sem_hv, sem_out):
    wid = lax.axis_index("s") * NC + lax.axis_index("c")
    b0 = wid

    for k in range(BPW):
        pltpu.async_copy(hv_hbm.at[b0 + k * NW], hv_v.at[k], sem_hv)

    def batch_body(bi, _):
        b = b0 + bi * NW
        pltpu.make_async_copy(hv_hbm.at[b], hv_v.at[bi], sem_hv).wait()

        def i_body(i, _):
            pltpu.async_copy(
                hv_v.at[bi], out_hbm.at[b, i, :, pl.ds(D, D)], sem_out
            )
            pltpu.async_copy(
                hv_v.at[bi], out_hbm.at[b, :, i, pl.ds(0, D)], sem_out
            )
            return 0

        lax.fori_loop(0, V, i_body, 0, unroll=False)
        return 0

    lax.fori_loop(0, BPW, batch_body, 0, unroll=False)

    def drain_body(k, _):
        pltpu.make_async_copy(
            hv_v.at[0], out_hbm.at[b0, 0, :, pl.ds(D, D)], sem_out
        ).wait()
        return 0

    lax.fori_loop(0, 2 * V * BPW, drain_body, 0, unroll=False)


@jax.jit
def kernel(hv):
    mesh = plsc.VectorSubcoreMesh(core_axis_name="c", subcore_axis_name="s")
    out = pl.kernel(
        _node_to_edge_body,
        out_type=jax.ShapeDtypeStruct((B, V, V, 2 * D), jnp.float32),
        mesh=mesh,
        scratch_types=[
            pltpu.VMEM((BPW, V, D), jnp.float32),
            pltpu.SemaphoreType.DMA,
            pltpu.SemaphoreType.DMA,
        ],
    )(hv)
    return out

# --- scband reference (transcript-rebuilt; emitter-appended) ---
"""Pipeline reference for scband-node-to-edge-68848325755268 (READ-ONLY COPY).

The authoritative reference and input builder live on the scoring server;
editing this copy changes nothing except your own understanding.
"""

import jax, jax.numpy as jnp
import numpy as np

N = 16
V1S_IDX = jnp.repeat(jnp.arange(N, dtype=jnp.int32), N)
V2S_IDX = jnp.tile(jnp.arange(N, dtype=jnp.int32), N)


def setup_inputs(seed: int = 0) -> dict:
    key = jax.random.key(seed)
    hv = jax.random.normal(key, (128, 16, 256), dtype=jnp.float32)
    return {"hv": hv}


def reference(hv):
    batch_size, num_vertices, _ = hv.shape
    v1s = jnp.take(hv, V1S_IDX, axis=1)
    v2s = jnp.take(hv, V2S_IDX, axis=1)
    vertices_concat = jnp.concatenate([v1s, v2s], axis=-1).reshape(
        batch_size, num_vertices, num_vertices, -1
    )
    return vertices_concat

if __name__ == "__main__":
    import jax
    _d = setup_inputs()
    print(jax.jit(kernel)(*tuple(_d.values())))

</pallas_src>

<mosaic_0001>
#map = affine_map<(d0, d1) -> (0, 0, 0)>
#map1 = affine_map<(d0, d1) -> (0, 0, 0, 0)>
module attributes {stable_mosaic.version = 14 : i64} {
  func.func @_node_to_edge_body(%arg0: i32, %arg1: i32, %arg2: memref<128x16x256xf32, #tpu.memory_space<hbm>>, %arg3: memref<128x16x16x512xf32, #tpu.memory_space<hbm>>, %arg4: memref<4x16x256xf32, #tpu.memory_space<vmem>>, %arg5: memref<!tpu.dma_semaphore, #tpu.memory_space<semaphore_mem>>, %arg6: memref<!tpu.dma_semaphore, #tpu.memory_space<semaphore_mem>>) attributes {dimension_semantics = [#tpu.dimension_semantics<core_parallel>, #tpu.dimension_semantics<subcore_parallel>], iteration_bounds = array<i64: 2, 16>, scalar_prefetch = 0 : i64, scratch_operands = 3 : i64, tpu.core_type = #tpu.core_type<sc_vector_subcore>, window_params = [{transform_indices = #map}, {transform_indices = #map1}]} {
    %mul3A = arith.constant 2 : i32
    %mul3A_0 = arith.muli %arg1, %mul3A : i32
    %add3A = arith.addi %mul3A_0, %arg0 : i32
    %add3A_1 = arith.constant 0 : i32
    %add3A_2 = arith.addi %add3A, %add3A_1 : i32
    %dma_start3A = arith.constant 0 : i32
    %dma_start3A_3 = arith.constant 0 : i32
    %dma_start3A_4 = arith.constant 0 : i32
    %dma_start3A_5 = tpu.memref_slice %arg4[%dma_start3A, %dma_start3A_3, %dma_start3A_4] : memref<4x16x256xf32, #tpu.memory_space<vmem>> -> memref<1x16x256xf32, #tpu.memory_space<vmem>>
    %dma_start3A_6 = tpu.memref_squeeze %dma_start3A_5 : memref<1x16x256xf32, #tpu.memory_space<vmem>> -> memref<16x256xf32, #tpu.memory_space<vmem>>
    %dma_start3A_7 = arith.constant 0 : i32
    %dma_start3A_8 = arith.constant 0 : i32
    %dma_start3A_9 = tpu.memref_slice %arg2[%add3A_2, %dma_start3A_7, %dma_start3A_8] : memref<128x16x256xf32, #tpu.memory_space<hbm>> -> memref<1x16x256xf32, #tpu.memory_space<hbm>>
    %dma_start3A_10 = tpu.memref_squeeze %dma_start3A_9 : memref<1x16x256xf32, #tpu.memory_space<hbm>> -> memref<16x256xf32, #tpu.memory_space<hbm>>
    %dma_start3A_11 = arith.constant 0 : i32
    %dma_start3A_12 = arith.constant 0 : i32
    %dma_start3A_13 = tpu.memref_slice %arg4[%dma_start3A, %dma_start3A_11, %dma_start3A_12] : memref<4x16x256xf32, #tpu.memory_space<vmem>> -> memref<1x16x256xf32, #tpu.memory_space<vmem>>
    %dma_start3A_14 = tpu.memref_squeeze %dma_start3A_13 : memref<1x16x256xf32, #tpu.memory_space<vmem>> -> memref<16x256xf32, #tpu.memory_space<vmem>>
    %dma_start3A_15 = arith.constant 0 : i32
    %dma_start3A_16 = arith.constant 0 : i32
    %dma_start3A_17 = tpu.memref_slice %arg2[%add3A_2, %dma_start3A_15, %dma_start3A_16] : memref<128x16x256xf32, #tpu.memory_space<hbm>> -> memref<1x16x256xf32, #tpu.memory_space<hbm>>
    %dma_start3A_18 = tpu.memref_squeeze %dma_start3A_17 : memref<1x16x256xf32, #tpu.memory_space<hbm>> -> memref<16x256xf32, #tpu.memory_space<hbm>>
    tpu.enqueue_dma source(%dma_start3A_18 : memref<16x256xf32, #tpu.memory_space<hbm>>) target(%dma_start3A_14 : memref<16x256xf32, #tpu.memory_space<vmem>>) target_semaphore(%arg5 : memref<!tpu.dma_semaphore, #tpu.memory_space<semaphore_mem>>)
    %add3A_19 = arith.constant 32 : i32
    %add3A_20 = arith.addi %add3A, %add3A_19 : i32
    %dma_start3A_21 = arith.constant 1 : i32
    %dma_start3A_22 = arith.constant 0 : i32
    %dma_start3A_23 = arith.constant 0 : i32
    %dma_start3A_24 = tpu.memref_slice %arg4[%dma_start3A_21, %dma_start3A_22, %dma_start3A_23] : memref<4x16x256xf32, #tpu.memory_space<vmem>> -> memref<1x16x256xf32, #tpu.memory_space<vmem>>
    %dma_start3A_25 = tpu.memref_squeeze %dma_start3A_24 : memref<1x16x256xf32, #tpu.memory_space<vmem>> -> memref<16x256xf32, #tpu.memory_space<vmem>>
    %dma_start3A_26 = arith.constant 0 : i32
    %dma_start3A_27 = arith.constant 0 : i32
    %dma_start3A_28 = tpu.memref_slice %arg2[%add3A_20, %dma_start3A_26, %dma_start3A_27] : memref<128x16x256xf32, #tpu.memory_space<hbm>> -> memref<1x16x256xf32, #tpu.memory_space<hbm>>
    %dma_start3A_29 = tpu.memref_squeeze %dma_start3A_28 : memref<1x16x256xf32, #tpu.memory_space<hbm>> -> memref<16x256xf32, #tpu.memory_space<hbm>>
    %dma_start3A_30 = arith.constant 0 : i32
    %dma_start3A_31 = arith.constant 0 : i32
    %dma_start3A_32 = tpu.memref_slice %arg4[%dma_start3A_21, %dma_start3A_30, %dma_start3A_31] : memref<4x16x256xf32, #tpu.memory_space<vmem>> -> memref<1x16x256xf32, #tpu.memory_space<vmem>>
    %dma_start3A_33 = tpu.memref_squeeze %dma_start3A_32 : memref<1x16x256xf32, #tpu.memory_space<vmem>> -> memref<16x256xf32, #tpu.memory_space<vmem>>
    %dma_start3A_34 = arith.constant 0 : i32
    %dma_start3A_35 = arith.constant 0 : i32
    %dma_start3A_36 = tpu.memref_slice %arg2[%add3A_20, %dma_start3A_34, %dma_start3A_35] : memref<128x16x256xf32, #tpu.memory_space<hbm>> -> memref<1x16x256xf32, #tpu.memory_space<hbm>>
    %dma_start3A_37 = tpu.memref_squeeze %dma_start3A_36 : memref<1x16x256xf32, #tpu.memory_space<hbm>> -> memref<16x256xf32, #tpu.memory_space<hbm>>
    tpu.enqueue_dma source(%dma_start3A_37 : memref<16x256xf32, #tpu.memory_space<hbm>>) target(%dma_start3A_33 : memref<16x256xf32, #tpu.memory_space<vmem>>) target_semaphore(%arg5 : memref<!tpu.dma_semaphore, #tpu.memory_space<semaphore_mem>>)
    %add3A_38 = arith.constant 64 : i32
    %add3A_39 = arith.addi %add3A, %add3A_38 : i32
    %dma_start3A_40 = arith.constant 2 : i32
    %dma_start3A_41 = arith.constant 0 : i32
    %dma_start3A_42 = arith.constant 0 : i32
    %dma_start3A_43 = tpu.memref_slice %arg4[%dma_start3A_40, %dma_start3A_41, %dma_start3A_42] : memref<4x16x256xf32, #tpu.memory_space<vmem>> -> memref<1x16x256xf32, #tpu.memory_space<vmem>>
    %dma_start3A_44 = tpu.memref_squeeze %dma_start3A_43 : memref<1x16x256xf32, #tpu.memory_space<vmem>> -> memref<16x256xf32, #tpu.memory_space<vmem>>
    %dma_start3A_45 = arith.constant 0 : i32
    %dma_start3A_46 = arith.constant 0 : i32
    %dma_start3A_47 = tpu.memref_slice %arg2[%add3A_39, %dma_start3A_45, %dma_start3A_46] : memref<128x16x256xf32, #tpu.memory_space<hbm>> -> memref<1x16x256xf32, #tpu.memory_space<hbm>>
    %dma_start3A_48 = tpu.memref_squeeze %dma_start3A_47 : memref<1x16x256xf32, #tpu.memory_space<hbm>> -> memref<16x256xf32, #tpu.memory_space<hbm>>
    %dma_start3A_49 = arith.constant 0 : i32
    %dma_start3A_50 = arith.constant 0 : i32
    %dma_start3A_51 = tpu.memref_slice %arg4[%dma_start3A_40, %dma_start3A_49, %dma_start3A_50] : memref<4x16x256xf32, #tpu.memory_space<vmem>> -> memref<1x16x256xf32, #tpu.memory_space<vmem>>
    %dma_start3A_52 = tpu.memref_squeeze %dma_start3A_51 : memref<1x16x256xf32, #tpu.memory_space<vmem>> -> memref<16x256xf32, #tpu.memory_space<vmem>>
    %dma_start3A_53 = arith.constant 0 : i32
    %dma_start3A_54 = arith.constant 0 : i32
    %dma_start3A_55 = tpu.memref_slice %arg2[%add3A_39, %dma_start3A_53, %dma_start3A_54] : memref<128x16x256xf32, #tpu.memory_space<hbm>> -> memref<1x16x256xf32, #tpu.memory_space<hbm>>
    %dma_start3A_56 = tpu.memref_squeeze %dma_start3A_55 : memref<1x16x256xf32, #tpu.memory_space<hbm>> -> memref<16x256xf32, #tpu.memory_space<hbm>>
    tpu.enqueue_dma source(%dma_start3A_56 : memref<16x256xf32, #tpu.memory_space<hbm>>) target(%dma_start3A_52 : memref<16x256xf32, #tpu.memory_space<vmem>>) target_semaphore(%arg5 : memref<!tpu.dma_semaphore, #tpu.memory_space<semaphore_mem>>)
    %add3A_57 = arith.constant 96 : i32
    %add3A_58 = arith.addi %add3A, %add3A_57 : i32
    %dma_start3A_59 = arith.constant 3 : i32
    %dma_start3A_60 = arith.constant 0 : i32
    %dma_start3A_61 = arith.constant 0 : i32
    %dma_start3A_62 = tpu.memref_slice %arg4[%dma_start3A_59, %dma_start3A_60, %dma_start3A_61] : memref<4x16x256xf32, #tpu.memory_space<vmem>> -> memref<1x16x256xf32, #tpu.memory_space<vmem>>
    %dma_start3A_63 = tpu.memref_squeeze %dma_start3A_62 : memref<1x16x256xf32, #tpu.memory_space<vmem>> -> memref<16x256xf32, #tpu.memory_space<vmem>>
    %dma_start3A_64 = arith.constant 0 : i32
    %dma_start3A_65 = arith.constant 0 : i32
    %dma_start3A_66 = tpu.memref_slice %arg2[%add3A_58, %dma_start3A_64, %dma_start3A_65] : memref<128x16x256xf32, #tpu.memory_space<hbm>> -> memref<1x16x256xf32, #tpu.memory_space<hbm>>
    %dma_start3A_67 = tpu.memref_squeeze %dma_start3A_66 : memref<1x16x256xf32, #tpu.memory_space<hbm>> -> memref<16x256xf32, #tpu.memory_space<hbm>>
    %dma_start3A_68 = arith.constant 0 : i32
    %dma_start3A_69 = arith.constant 0 : i32
    %dma_start3A_70 = tpu.memref_slice %arg4[%dma_start3A_59, %dma_start3A_68, %dma_start3A_69] : memref<4x16x256xf32, #tpu.memory_space<vmem>> -> memref<1x16x256xf32, #tpu.memory_space<vmem>>
    %dma_start3A_71 = tpu.memref_squeeze %dma_start3A_70 : memref<1x16x256xf32, #tpu.memory_space<vmem>> -> memref<16x256xf32, #tpu.memory_space<vmem>>
    %dma_start3A_72 = arith.constant 0 : i32
    %dma_start3A_73 = arith.constant 0 : i32
    %dma_start3A_74 = tpu.memref_slice %arg2[%add3A_58, %dma_start3A_72, %dma_start3A_73] : memref<128x16x256xf32, #tpu.memory_space<hbm>> -> memref<1x16x256xf32, #tpu.memory_space<hbm>>
    %dma_start3A_75 = tpu.memref_squeeze %dma_start3A_74 : memref<1x16x256xf32, #tpu.memory_space<hbm>> -> memref<16x256xf32, #tpu.memory_space<hbm>>
    tpu.enqueue_dma source(%dma_start3A_75 : memref<16x256xf32, #tpu.memory_space<hbm>>) target(%dma_start3A_71 : memref<16x256xf32, #tpu.memory_space<vmem>>) target_semaphore(%arg5 : memref<!tpu.dma_semaphore, #tpu.memory_space<semaphore_mem>>)
    %scan3A = arith.constant 0 : i32
    %scan3A_76 = arith.constant 0 : i32
    %scan3A_77 = arith.constant 4 : i32
    %scan3A_78 = arith.addi %scan3A_76, %scan3A_77 : i32
    %scan3A_79 = arith.constant 1 : i32
    %scan3A_80 = scf.for %scan3A_89 = %scan3A_76 to %scan3A_78 step %scan3A_79 iter_args(%scan3A_90 = %scan3A) -> (i32)  : i32 {
      %mul3A_91 = arith.constant 32 : i32
      %mul3A_92 = arith.muli %scan3A_89, %mul3A_91 : i32
      %add3A_93 = arith.addi %add3A, %mul3A_92 : i32
      %dma_wait3A = arith.constant 0 : i32
      %dma_wait3A_94 = arith.constant 0 : i32
      %dma_wait3A_95 = tpu.memref_slice %arg4[%scan3A_89, %dma_wait3A, %dma_wait3A_94] : memref<4x16x256xf32, #tpu.memory_space<vmem>> -> memref<1x16x256xf32, #tpu.memory_space<vmem>>
      %dma_wait3A_96 = tpu.memref_squeeze %dma_wait3A_95 : memref<1x16x256xf32, #tpu.memory_space<vmem>> -> memref<16x256xf32, #tpu.memory_space<vmem>>
      %dma_wait3A_97 = arith.constant 0 : i32
      %dma_wait3A_98 = arith.constant 0 : i32
      %dma_wait3A_99 = tpu.memref_slice %arg2[%add3A_93, %dma_wait3A_97, %dma_wait3A_98] : memref<128x16x256xf32, #tpu.memory_space<hbm>> -> memref<1x16x256xf32, #tpu.memory_space<hbm>>
      %dma_wait3A_100 = tpu.memref_squeeze %dma_wait3A_99 : memref<1x16x256xf32, #tpu.memory_space<hbm>> -> memref<16x256xf32, #tpu.memory_space<hbm>>
      %dma_wait3A_101 = arith.constant 0 : i32
      %dma_wait3A_102 = arith.constant 0 : i32
      %dma_wait3A_103 = tpu.memref_slice %arg4[%scan3A_89, %dma_wait3A_101, %dma_wait3A_102] : memref<4x16x256xf32, #tpu.memory_space<vmem>> -> memref<1x16x256xf32, #tpu.memory_space<vmem>>
      %dma_wait3A_104 = tpu.memref_squeeze %dma_wait3A_103 : memref<1x16x256xf32, #tpu.memory_space<vmem>> -> memref<16x256xf32, #tpu.memory_space<vmem>>
      %dma_wait3A_105 = arith.constant 0 : i32
      %dma_wait3A_106 = arith.constant 0 : i32
      %dma_wait3A_107 = tpu.memref_slice %arg2[%add3A_93, %dma_wait3A_105, %dma_wait3A_106] : memref<128x16x256xf32, #tpu.memory_space<hbm>> -> memref<1x16x256xf32, #tpu.memory_space<hbm>>
      %dma_wait3A_108 = tpu.memref_squeeze %dma_wait3A_107 : memref<1x16x256xf32, #tpu.memory_space<hbm>> -> memref<16x256xf32, #tpu.memory_space<hbm>>
      tpu.wait_dma2 semaphore(%arg5 : memref<!tpu.dma_semaphore, #tpu.memory_space<semaphore_mem>>) src(%dma_wait3A_108 : memref<16x256xf32, #tpu.memory_space<hbm>>) dst(%dma_wait3A_104 : memref<16x256xf32, #tpu.memory_space<vmem>>)
      %scan3A_109 = arith.constant 0 : i32
      %scan3A_110 = arith.constant 0 : i32
      %scan3A_111 = arith.constant 16 : i32
      %scan3A_112 = arith.addi %scan3A_110, %scan3A_111 : i32
      %scan3A_113 = arith.constant 1 : i32
      %scan3A_114 = scf.for %scan3A_117 = %scan3A_110 to %scan3A_112 step %scan3A_113 iter_args(%scan3A_118 = %scan3A_109) -> (i32)  : i32 {
        %dma_start3A_119 = arith.constant 0 : i32
        %dma_start3A_120 = arith.constant 0 : i32
        %dma_start3A_121 = tpu.memref_slice %arg4[%scan3A_89, %dma_start3A_119, %dma_start3A_120] : memref<4x16x256xf32, #tpu.memory_space<vmem>> -> memref<1x16x256xf32, #tpu.memory_space<vmem>>
        %dma_start3A_122 = tpu.memref_squeeze %dma_start3A_121 : memref<1x16x256xf32, #tpu.memory_space<vmem>> -> memref<16x256xf32, #tpu.memory_space<vmem>>
        %dma_start3A_123 = arith.constant 0 : i32
        %dma_start3A_124 = arith.constant 256 : i32
        %dma_start3A_125 = tpu.memref_slice %arg3[%add3A_93, %scan3A_117, %dma_start3A_123, %dma_start3A_124] : memref<128x16x16x512xf32, #tpu.memory_space<hbm>> -> memref<1x1x16x256xf32, #tpu.memory_space<hbm>>
        %dma_start3A_126 = tpu.memref_squeeze %dma_start3A_125 : memref<1x1x16x256xf32, #tpu.memory_space<hbm>> -> memref<16x256xf32, #tpu.memory_space<hbm>>
        %dma_start3A_127 = arith.constant 0 : i32
        %dma_start3A_128 = arith.constant 256 : i32
        %dma_start3A_129 = tpu.memref_slice %arg3[%add3A_93, %scan3A_117, %dma_start3A_127, %dma_start3A_128] : memref<128x16x16x512xf32, #tpu.memory_space<hbm>> -> memref<1x1x16x256xf32, #tpu.memory_space<hbm>>
        %dma_start3A_130 = tpu.memref_squeeze %dma_start3A_129 : memref<1x1x16x256xf32, #tpu.memory_space<hbm>> -> memref<16x256xf32, #tpu.memory_space<hbm>>
        %dma_start3A_131 = arith.constant 0 : i32
        %dma_start3A_132 = arith.constant 0 : i32
        %dma_start3A_133 = tpu.memref_slice %arg4[%scan3A_89, %dma_start3A_131, %dma_start3A_132] : memref<4x16x256xf32, #tpu.memory_space<vmem>> -> memref<1x16x256xf32, #tpu.memory_space<vmem>>
        %dma_start3A_134 = tpu.memref_squeeze %dma_start3A_133 : memref<1x16x256xf32, #tpu.memory_space<vmem>> -> memref<16x256xf32, #tpu.memory_space<vmem>>
        tpu.enqueue_dma source(%dma_start3A_134 : memref<16x256xf32, #tpu.memory_space<vmem>>) target(%dma_start3A_130 : memref<16x256xf32, #tpu.memory_space<hbm>>) target_semaphore(%arg6 : memref<!tpu.dma_semaphore, #tpu.memory_space<semaphore_mem>>)
        %dma_start3A_135 = arith.constant 0 : i32
        %dma_start3A_136 = arith.constant 0 : i32
        %dma_start3A_137 = tpu.memref_slice %arg4[%scan3A_89, %dma_start3A_135, %dma_start3A_136] : memref<4x16x256xf32, #tpu.memory_space<vmem>> -> memref<1x16x256xf32, #tpu.memory_space<vmem>>
        %dma_start3A_138 = tpu.memref_squeeze %dma_start3A_137 : memref<1x16x256xf32, #tpu.memory_space<vmem>> -> memref<16x256xf32, #tpu.memory_space<vmem>>
        %dma_start3A_139 = arith.constant 0 : i32
        %dma_start3A_140 = arith.constant 0 : i32
        %dma_start3A_141 = tpu.memref_slice %arg3[%add3A_93, %dma_start3A_139, %scan3A_117, %dma_start3A_140] : memref<128x16x16x512xf32, #tpu.memory_space<hbm>> -> memref<1x16x1x256xf32, #tpu.memory_space<hbm>>
        %dma_start3A_142 = tpu.memref_squeeze %dma_start3A_141 : memref<1x16x1x256xf32, #tpu.memory_space<hbm>> -> memref<16x256xf32, #tpu.memory_space<hbm>>
        %dma_start3A_143 = arith.constant 0 : i32
        %dma_start3A_144 = arith.constant 0 : i32
        %dma_start3A_145 = tpu.memref_slice %arg3[%add3A_93, %dma_start3A_143, %scan3A_117, %dma_start3A_144] : memref<128x16x16x512xf32, #tpu.memory_space<hbm>> -> memref<1x16x1x256xf32, #tpu.memory_space<hbm>>
        %dma_start3A_146 = tpu.memref_squeeze %dma_start3A_145 : memref<1x16x1x256xf32, #tpu.memory_space<hbm>> -> memref<16x256xf32, #tpu.memory_space<hbm>>
        %dma_start3A_147 = arith.constant 0 : i32
        %dma_start3A_148 = arith.constant 0 : i32
        %dma_start3A_149 = tpu.memref_slice %arg4[%scan3A_89, %dma_start3A_147, %dma_start3A_148] : memref<4x16x256xf32, #tpu.memory_space<vmem>> -> memref<1x16x256xf32, #tpu.memory_space<vmem>>
        %dma_start3A_150 = tpu.memref_squeeze %dma_start3A_149 : memref<1x16x256xf32, #tpu.memory_space<vmem>> -> memref<16x256xf32, #tpu.memory_space<vmem>>
        tpu.enqueue_dma source(%dma_start3A_150 : memref<16x256xf32, #tpu.memory_space<vmem>>) target(%dma_start3A_146 : memref<16x256xf32, #tpu.memory_space<hbm>>) target_semaphore(%arg6 : memref<!tpu.dma_semaphore, #tpu.memory_space<semaphore_mem>>)
        %scan3A_151 = arith.constant 0 : i32
        scf.yield %scan3A_151 : i32
      }
      %scan3A_115 = arith.constant 16 : i32
      %scan3A_116 = arith.constant 0 : i32
      scf.yield %scan3A_116 : i32
    }
    %scan3A_81 = arith.constant 4 : i32
    %scan3A_82 = arith.constant 0 : i32
    %scan3A_83 = arith.constant 0 : i32
    %scan3A_84 = arith.constant 128 : i32
    %scan3A_85 = arith.addi %scan3A_83, %scan3A_84 : i32
    %scan3A_86 = arith.constant 1 : i32
    %scan3A_87 = scf.for %scan3A_89 = %scan3A_83 to %scan3A_85 step %scan3A_86 iter_args(%scan3A_90 = %scan3A_82) -> (i32)  : i32 {
      %dma_wait3A = arith.constant 0 : i32
      %dma_wait3A_91 = arith.constant 0 : i32
      %dma_wait3A_92 = arith.constant 0 : i32
      %dma_wait3A_93 = arith.constant 0 : i32
      %dma_wait3A_94 = tpu.memref_slice %arg4[%dma_wait3A, %dma_wait3A_92, %dma_wait3A_93] : memref<4x16x256xf32, #tpu.memory_space<vmem>> -> memref<1x16x256xf32, #tpu.memory_space<vmem>>
      %dma_wait3A_95 = tpu.memref_squeeze %dma_wait3A_94 : memref<1x16x256xf32, #tpu.memory_space<vmem>> -> memref<16x256xf32, #tpu.memory_space<vmem>>
      %dma_wait3A_96 = arith.constant 0 : i32
      %dma_wait3A_97 = arith.constant 256 : i32
      %dma_wait3A_98 = tpu.memref_slice %arg3[%add3A, %dma_wait3A_91, %dma_wait3A_96, %dma_wait3A_97] : memref<128x16x16x512xf32, #tpu.memory_space<hbm>> -> memref<1x1x16x256xf32, #tpu.memory_space<hbm>>
      %dma_wait3A_99 = tpu.memref_squeeze %dma_wait3A_98 : memref<1x1x16x256xf32, #tpu.memory_space<hbm>> -> memref<16x256xf32, #tpu.memory_space<hbm>>
      %dma_wait3A_100 = arith.constant 0 : i32
      %dma_wait3A_101 = arith.constant 256 : i32
      %dma_wait3A_102 = tpu.memref_slice %arg3[%add3A, %dma_wait3A_91, %dma_wait3A_100, %dma_wait3A_101] : memref<128x16x16x512xf32, #tpu.memory_space<hbm>> -> memref<1x1x16x256xf32, #tpu.memory_space<hbm>>
      %dma_wait3A_103 = tpu.memref_squeeze %dma_wait3A_102 : memref<1x1x16x256xf32, #tpu.memory_space<hbm>> -> memref<16x256xf32, #tpu.memory_space<hbm>>
      %dma_wait3A_104 = arith.constant 0 : i32
      %dma_wait3A_105 = arith.constant 0 : i32
      %dma_wait3A_106 = tpu.memref_slice %arg4[%dma_wait3A, %dma_wait3A_104, %dma_wait3A_105] : memref<4x16x256xf32, #tpu.memory_space<vmem>> -> memref<1x16x256xf32, #tpu.memory_space<vmem>>
      %dma_wait3A_107 = tpu.memref_squeeze %dma_wait3A_106 : memref<1x16x256xf32, #tpu.memory_space<vmem>> -> memref<16x256xf32, #tpu.memory_space<vmem>>
      tpu.wait_dma2 semaphore(%arg6 : memref<!tpu.dma_semaphore, #tpu.memory_space<semaphore_mem>>) src(%dma_wait3A_107 : memref<16x256xf32, #tpu.memory_space<vmem>>) dst(%dma_wait3A_103 : memref<16x256xf32, #tpu.memory_space<hbm>>)
      %scan3A_108 = arith.constant 0 : i32
      scf.yield %scan3A_108 : i32
    }
    %scan3A_88 = arith.constant 128 : i32
    return
  }
}

</mosaic_0001>

<sc_bundles>
// kernel: kernel.3.cloned.1.call-start
scs
__scs_entry_jumppad:
0x0: {  	(pc) =	sbr.rel $0x88, $3  }
0x1: {  	(tag) =	ssettag $0x0;
	lr =	simm.s32 $0x1  }
0x2: {  	[smem:$0x3FA0] =	sst lr;
	_ =	strace $0xD0000000  }
0x3: {  	_ = 	snop  }
0x4: {  	_ = 	snop  }
0x5: {  	_ = 	snop  }
0x6: {  	_ = 	snop  }
0x7: {  	_ = 	snop  }
__scs_overlays_trampoline_lowered:
0x8: {  	[smem:$0x3FAF] =	sst s0  }
0x9: {  	[smem:$0x3FB0] =	sst s1  }
0xa: {  	[smem:$0x3FB1] =	sst s2  }
0xb: {  	[smem:$0x3FB2] =	sst s3  }
0xc: {  	[smem:$0x3FB3] =	sst s4  }
0xd: {  	[smem:$0x3FB4] =	sst s5  }
0xe: {  	[smem:$0x3FB5] =	sst s6  }
0xf: {  	[smem:$0x3FB6] =	sst s7  }
0x10: {  	[smem:$0x3FB7] =	sst s8  }
0x11: {  	[smem:$0x3FB8] =	sst s9;
	s0 =	simm.s32 @!p0 $0x0  }
0x12: {  	s1 =	sld [smem:$0x3F9E];
	s0 =	simm.s32 @p0 $0x1  }
0x13: {  	[smem:$0x3FB9] =	sst s0;
	s0 =	simm.s32 @!p1 $0x0  }
0x14: {  	s2 =	sld [smem:$0x3F9D];
	s0 =	simm.s32 @p1 $0x1  }
0x15: {  	[smem:$0x3FBA] =	sst s0;
	s0 =	simm.s32 @!p2 $0x0  }
0x16: {  	s3 =	sld [smem:$0x3FDB];
	s0 =	simm.s32 @p2 $0x1  }
0x17: {  	s4 =	simm.s32 $0x1BF5;
	[smem:$0x3FBC] =	sst s0  }
0x18: {  	s0 =	sld [smem:$0x3F9F];
	_ =	swait.ge [sflag:s4], $0x0  }
0x19: {  	s7 =	sld [smem:$0x3FA0]  }
0x1a: {  	s8 =	sadd.s32 $0xFFFFE003, lr  }
0x1b: {  	s9 =	sadd.s32 $0xFFFFFEF7, lr;
	s5 =	simm.s32 $0xFFFFFFFF;
	p2 =	slt.u32 s8, $0xFFFFF086  }
0x1c: {  	p1 =	slt.u32 s9, $0xF7A;
	s5 =	simm.s32 @!p2 $0x0  }
0x1d: {  	s5 =	simm.s32 @p1 $0x1;
	p0 =	seq.s32 s7, s2  }
0x1e: {  	s7 =	smul.u32 @!p0 $0xF7A, s2;
	p2 =	seq.s32 @!p0 s5, $0x0  }
0x1f: {  	s9 =	smul.u32 $0xF7A, s1;
	s8 =	simm.s32 @!p0 $0x1BF5;
	p2 =	por !p2, p0  }
0x20: {  	[sflag:s8] =	ssyncset.s32 @!p0 $0xFFFFF086;
	s6 =	sadd.s32 @!p0 s3, s7;
	s7 =	simm.s32 @!p0 $0x108  }
0x21: {  	s3 =	sadd.s32 s3, s9;
	s6 =	sadd.s32 @!p0 $0x88, s6;
	s7 =	simm.s32 @p2 $0x1082  }
0x22: {  	[simem:s7], [sflag:s8] =	dma.local @!p0 [hbm:s6], $0xF7A  }
0x23: {  	s9 =	sor.u32 $0xD0000000, s2;
	s6 =	simm.s32 $0x108;
	_ =	swait.ge @!p0 [sflag:s8], $0x0  }
0x24: {  	s3 =	sadd.s32 $0x88, s3;
	s6 =	simm.s32 @!p1 $0x1082;
	[sflag:s4] =	ssyncset.s32 $0xFFFFF086  }
0x25: {  	[simem:s6], [sflag:s4] =	dma.local [hbm:s3], $0xF7A  }
0x26: {  	[smem:$0x3FA0] =	sst s1;
	(tag) =	ssettag s2;
	_ =	strace s9  }
0x27: {  	s1 =	sld [smem:$0x3FB0]  }
0x28: {  	s2 =	sld [smem:$0x3FB1]  }
0x29: {  	s4 =	sld [smem:$0x3FB3]  }
0x2a: {  	p0 =	seq.s32 s5, $0x0;
	s5 =	sld [smem:$0x3FB4]  }
0x2b: {  	s6 =	sld [smem:$0x3FB5]  }
0x2c: {  	s7 =	sld [smem:$0x3FB6]  }
0x2d: {  	s3 =	simm.s32 $0x108;
	s8 =	sld [smem:$0x3FB7]  }
0x2e: {  	s3 =	simm.s32 @!p0 $0x1082;
	s9 =	sld [smem:$0x3FB8]  }
0x2f: {  	lr =	sadd.s32 s0, s3;
	s0 =	sld [smem:$0x3FAF]  }
0x30: {  	s3 =	sld [smem:$0x3FB2]  }
0x31: {  	[smem:$0x3FBB] =	sst s10  }
0x32: {  	s10 =	sld [smem:$0x3FB9];
	_ =	sdelay $0x3  }
0x33: {  	p0 =	seq.s32 s10, $0x1;
	s10 =	sld [smem:$0x3FBB];
	_ =	sdelay $0x3  }
0x34: {  	[smem:$0x3FBB] =	sst s10  }
0x35: {  	s10 =	sld [smem:$0x3FBA];
	_ =	sdelay $0x3  }
0x36: {  	p1 =	seq.s32 s10, $0x1;
	s10 =	sld [smem:$0x3FBB];
	_ =	sdelay $0x3  }
0x37: {  	[smem:$0x3FBB] =	sst s10  }
0x38: {  	s10 =	sld [smem:$0x3FBC]  }
0x39: {  	_ = 	snop;
	(pc) =	sbr.ind lr, $3  }
0x3a: {  	_ = 	snop  }
0x3b: {  	_ = 	snop  }
0x3c: {  	p2 =	seq.s32 s10, $0x1;
	s10 =	sld [smem:$0x3FBB]  }
0x3d: {  	_ =	shalt  }
0x3e: {  	_ =	shalt  }
0x3f: {  	_ =	shalt  }
0x40: {  	_ =	shalt  }
0x41: {  	_ =	shalt  }
0x42: {  	_ =	shalt  }
0x43: {  	_ =	shalt  }
0x44: {  	_ =	shalt  }
0x45: {  	_ =	shalt  }
0x46: {  	_ =	shalt  }
0x47: {  	_ =	shalt  }
0x48: {  	_ =	shalt  }
0x49: {  	_ =	shalt  }
0x4a: {  	_ =	shalt  }
0x4b: {  	_ =	shalt  }
0x4c: {  	_ =	shalt  }
0x4d: {  	_ =	shalt  }
0x4e: {  	_ =	shalt  }
0x4f: {  	_ =	shalt  }
0x50: {  	_ =	shalt  }
0x51: {  	_ =	shalt  }
0x52: {  	_ =	shalt  }
0x53: {  	_ =	shalt  }
0x54: {  	_ =	shalt  }
0x55: {  	_ =	shalt  }
0x56: {  	_ =	shalt  }
0x57: {  	_ =	shalt  }
0x58: {  	_ =	shalt  }
0x59: {  	_ =	shalt  }
0x5a: {  	_ =	shalt  }
0x5b: {  	_ =	shalt  }
0x5c: {  	_ =	shalt  }
0x5d: {  	_ =	shalt  }
0x5e: {  	_ =	shalt  }
0x5f: {  	_ =	shalt  }
0x60: {  	_ =	shalt  }
0x61: {  	_ =	shalt  }
0x62: {  	_ =	shalt  }
0x63: {  	_ =	shalt  }
0x64: {  	_ =	shalt  }
0x65: {  	_ =	shalt  }
0x66: {  	_ =	shalt  }
0x67: {  	_ =	shalt  }
0x68: {  	_ =	shalt  }
0x69: {  	_ =	shalt  }
0x6a: {  	_ =	shalt  }
0x6b: {  	_ =	shalt  }
0x6c: {  	_ =	shalt  }
0x6d: {  	_ =	shalt  }
0x6e: {  	_ =	shalt  }
0x6f: {  	_ =	shalt  }
0x70: {  	_ =	shalt  }
0x71: {  	_ =	shalt  }
0x72: {  	_ =	shalt  }
0x73: {  	_ =	shalt  }
0x74: {  	_ =	shalt  }
0x75: {  	_ =	shalt  }
0x76: {  	_ =	shalt  }
0x77: {  	_ =	shalt  }
0x78: {  	_ =	shalt  }
0x79: {  	_ =	shalt  }
0x7a: {  	_ =	shalt  }
0x7b: {  	_ =	shalt  }
0x7c: {  	_ =	shalt  }
0x7d: {  	_ =	shalt  }
0x7e: {  	_ =	shalt  }
0x7f: {  	_ =	shalt  }
0x80: {  	_ =	shalt  }
0x81: {  	_ =	shalt  }
0x82: {  	_ =	shalt  }
0x83: {  	_ =	shalt  }
0x84: {  	_ =	shalt  }
0x85: {  	_ =	shalt  }
0x86: {  	_ =	shalt  }
0x87: {  	_ =	shalt  }
.Lfunc_end0:
.L_simem_size_0:
called_computation_lowered:
.L_overlay_start_0:
0x88: {  	s2 =	sld [smem:$0x3FD9]  }
0x89: {  	s3 =	sld [smem:$0x3FFE];
	_ =	sdelay $0x1  }
0x8a: {  	s1 =	srdreg.scid  }
0x8b: {  	s0 =	sand.u32 $0x1, s1  }
0x8c: {  	s18 =	sshll.u32 s0, $0xA;
	s2 =	sadd.s32 s3, s2  }
0x8d: {  	s2 =	sadd.s32 s2, s18  }
0x8e: {  	[smem:$0x3FC7] =	sst s2  }
0x8f: {  	_ = 	snop  }
0x90: {  	s2 =	sld [smem:$0x3FC9]  }
0x91: {  	s19 =	sld [smem:$0x3FD0];
	(tm) =	ssettm $0x1  }
0x92: {  	s4 =	sld [smem:$0x3FFB];
	_ =	sdelay $0x3  }
0x93: {  	_ =	strace s4  }
0x94: {  	s4 =	sld [smem:$0x3FFC];
	_ =	sdelay $0x3  }
0x95: {  	_ =	strace s4  }
0x96: {  	s4 =	sld [smem:$0x3FFD];
	_ =	sdelay $0x3  }
0x97: {  	_ =	strace s4  }
0x98: {  	_ =	strace $0x8FFFFFFF  }
0x99: {  	s20 =	sld [smem:$0x3FDB];
	_ =	sdelay $0x1  }
0x9a: {  	s5 =	simm.s32 $_scs_section_size  }
0x9b: {  	s6 =	simm.s32 $_size__tile_overlayer_lowered;
	s7 =	simm.s32 $_tile_overlayer_lowered  }
0x9c: {  	s23 =	simm.s32 $0x1BFF;
	s22 =	sshll.u32 s7, $0x1;
	s4 =	sadd.s32 s5, s20  }
0x9d: {  	s8 =	simm.s32 $0x0;
	s21 =	sshll.u32 s6, $0x1;
	s6 =	sadd.s32 s22, s4  }
0x9e: {  	[timem:s8], [sflag:s23] =	dma.local [hbm:s6], s21  }
0x9f: {  	_ =	swait.ge [sflag:s23], s21  }
0xa0: {  	s5 =	ssub.s32 $0x0, s21;
	[sflag:s23] =	ssyncset.done $0x0  }
0xa1: {  	[sflag:s23] =	ssyncadd.s32 s5;
	_ =	sdelay $0x1  }
0xa2: {  	s24 =	simm.s32 $0x1B8B  }
0xa3: {  	_ =	swait.ge [sflag:s24], $0x1  }
0xa4: {  	[sflag:s24] =	ssyncset.done $0x0  }
0xa5: {  	s25 =	simm.s32 $0x1B8E;
	[sflag:s24] =	ssyncadd.s32 $0xFFFFFFFF  }
0xa6: {  	s26 =	simm.s32 $execute0_lowered;
	[smem:$0x3FD2] =	sst s25  }
0xa7: {  	s5 =	sshll.u32 s26, $0x1;
	_ =	strace $0x80000046;
	[dreg:$0x1] =	wrdreg $0xFFFFFFFF  }
0xa8: {  	s28 =	simm.s32 $_size_execute0_lowered;
	s4 =	sadd.s32 s4, s5;
	[dreg:$0x0] =	wrdreg $0x0  }
0xa9: {  	s5 =	sshll.u32 s28, $0x1;
	[dreg:$0x2] =	wrdreg s4  }
0xaa: {  	[dreg:$0x3] =	wrdreg s5  }
0xab: {  	[dreg:$0x4] =	wrdreg $0xC0  }
0xac: {  	_ =	task [dreg:s8], $0x5FFFF  }
0xad: {  	[dreg:$0x1] =	wrdreg $0xFFFFFFFF  }
0xae: {  	[dreg:$0x0] =	wrdreg $0x60  }
0xaf: {  	[dreg:$0x2] =	wrdreg s2  }
0xb0: {  	[dreg:$0x3] =	wrdreg s19  }
0xb1: {  	[dreg:$0x4] =	wrdreg $0x9  }
0xb2: {  	_ =	task.clear_ibuf [dreg:s8], $0x5FFFF;
	_ =	strace $0x90000046  }
0xb3: {  	s29 =	simm.s32 $0x9;
	_ =	strace $0x80000048  }
0xb4: {  	_ =	swait.ge [sflag:s29], $0x1  }
0xb5: {  	[sflag:s29] =	ssyncadd.s32 $0xFFFFFFFF  }
0xb6: {  	_ =	strace $0x90000048  }
0xb7: {  	_ =	sfence  }
0xb8: {  	s30 =	sld [smem:$0x0];
	_ =	sdelay $0x2  }
0xb9: {  	s31 =	sshll.u32 s1, $0xD;
	s1 =	sshrl.u32 s1, $0x2  }
0xba: {  	s3 =	sand.u32 $0x4000, s31;
	s1 =	sadd.s32 s1, s30  }
0xbb: {  	s0 =	sor.u32 s3, s0;
	s1 =	sshll.u32 s1, $0x11  }
0xbc: {  	s0 =	sor.u32 s1, s0  }
0xbd: {  	s0 =	sadd.s32 $0x8F2B, s0  }
0xbe: {  	[sflag:s0] =	ssyncadd.remote.s32 $0x1  }
0xbf: {  	_ =	sfence.sel $0xFFFF  }
0xc0: {  	[dreg:$0x0] =	wrdreg $0xFFFFFFFF;
	(pc) =	sbr.abs _section_cstart, $3  }
0xc1: {  	[dreg:$0x1] =	wrdreg $0xFFFFFFFF  }
0xc2: {  	_ =	task.clear_ibuf [dreg:s8], $0x2FFFF;
	_ =	strace $0x9FFFFFFF  }
0xc3: {  	(tm) =	ssettm $0x7FFFFFFF  }
tec
execute0_lowered:
.L_overlay_start_1:
0x0: {  	(tag) =	ssettag $0x1  }
0x1: {  	s4 =	rddreg [dreg:$0x0]  }
0x2: {  	s2 =	rddreg [dreg:$0x1]  }
0x3: {  	s5 =	srdreg.scid;
	s0 =	stileid.u32  }
0x4: {  	s3 =	simm.s32 $0x0;
	s12 =	simm.s32 $0x2000;
	s13 =	simm.s32 $0x3000  }
0x5: {  	s14 =	simm.s32 $0x1;
	s15 =	simm.s32 $0x800;
	s16 =	simm.s32 $0x80  }
0x6: {  	s17 =	simm.s32 $0x2;
	s18 =	simm.s32 $0x0;
	s5 =	sand.u32 $0x1, s5  }
0x7: {  	s6 =	sshll.u32 s0, $0x1;
	[smem:$0x7FF] =	sst s3;
	s31 =	sshll.u32 s0, $0x12  }
0x8: {  	s7 =	ssub.s32 $0x2, s5;
	s8 =	sor.u32 s5, s6;
	_ =	strace $0x80000047  }
0x9: {  	s10 =	sshll.u32 s5, $0x11;
	s30 =	sshrl.u32 s7, $0x1;
	s9 =	sshll.u32 s8, $0x9  }
0xa: {  	s8 =	sshll.u32 s8, $0x11;
	s4 =	sadd.s32 s4, s9;
	s9 =	sor.u32 s10, s31  }
0xb: {  	s11 =	ssub.s32 s7, s30;
	s5 =	sadd.s32 $0x4000, s4;
	s10 =	sshrl.u32 s9, $0x3  }
0xc: {  	s6 =	sadd.s32 $0x8000, s4;
	s7 =	sadd.s32 $0xC000, s4;
	s10 =	sadd.s32 s10, s2  }
0xd: {  	s9 =	smax.u32 s11, $0x1;
	s11 =	simm.s32 $0x1000;
	s10 =	sadd.s32 $0x100, s10  }
.LBB2_1:
0xe: {  	[tilespmem:s3], [sflag:$0x1] =	stream.linear.gather [hbm4b:s4+s3], $0x1000, $0x38;
	[tilespmem:$0x4000] =	vst v63  }
0xf: {  	_ = 	snop  }
0x10: {  	[tilespmem:s11], [sflag:$0x1] =	stream.linear.gather [hbm4b:s5+s3], $0x1000, $0x38;
	[tilespmem:$0x4000] =	vst v63  }
0x11: {  	_ = 	snop  }
0x12: {  	[tilespmem:s12], [sflag:$0x1] =	stream.linear.gather [hbm4b:s6+s3], $0x1000, $0x38;
	[tilespmem:$0x4000] =	vst v63  }
0x13: {  	s19 =	smov.u32 s10;
	s20 =	simm.s32 $0x0  }
0x14: {  	[tilespmem:s13], [sflag:$0x1] =	stream.linear.gather [hbm4b:s7+s3], $0x1000, $0x38;
	[tilespmem:$0x4000] =	vst v63  }
.LBB2_2:
0x15: {  	s21 =	simm.s32 $0x0  }
0x16: {  	s22 =	sshll.u32 s20, $0x16;
	s23 =	sand.u32 $0x380, s21;
	s21 =	sand.u32 $0x1000, s21  }
0x17: {  	_ =	swait.ge [sflag:s14], $0x1000;
	s22 =	sor.u32 s8, s22;
	s21 =	sor.u32 s21, s23  }
0x18: {  	s31 =	sshll.u32 s20, $0xC;
	[sflag:s14] =	ssyncset.done $0x0;
	s24 =	sor.u32 s22, s21  }
0x19: {  	[sflag:s14] =	ssyncadd.s32 $0xFFFFF000;
	s21 =	sand.u32 $0x3FFFF000, s31;
	s24 =	sshrl.u32 s24, $0x3  }
0x1a: {  	[hbm4b:s19+s15] =	stream.strided.scatter [tilespmem:s21], [sflag:$0x2], $0x1000, s11, s15, $0x38;
	[tilespmem:$0x4000] =	vst v63  }
0x1b: {  	s29 =	simm.s32 $0x200;
	s28 =	sadd.s32 s2, s24  }
0x1c: {  	[hbm4b:s28+s16] =	stream.strided.scatter [tilespmem:s21], [sflag:$0x2], $0x400, s12, s16, $0x38;
	[tilespmem:$0x4000] =	vst v63  }
0x1d: {  	s29 =	sand.u32 $0x1000, s29;
	s23 =	sor.u32 $0x400, s21;
	s26 =	sadd.s32 $0x80, s28  }
0x1e: {  	[hbm4b:s26+s16] =	stream.strided.scatter [tilespmem:s23], [sflag:$0x2], $0x400, s12, s16, $0x38;
	[tilespmem:$0x4000] =	vst v63  }
0x1f: {  	s25 =	sor.u32 $0x800, s21;
	s30 =	sadd.s32 $0x2000, s28;
	s26 =	simm.s32 $0x80  }
0x20: {  	[hbm4b:s30+s16] =	stream.strided.scatter [tilespmem:s25], [sflag:$0x2], $0x400, s12, s16, $0x38;
	[tilespmem:$0x4000] =	vst v63  }
0x21: {  	s24 =	sor.u32 $0xC00, s21;
	s28 =	sadd.s32 $0x2080, s28;
	s30 =	sand.u32 $0x380, s26  }
0x22: {  	[hbm4b:s28+s16] =	stream.strided.scatter [tilespmem:s24], [sflag:$0x2], $0x400, s12, s16, $0x38;
	[tilespmem:$0x4000] =	vst v63  }
0x23: {  	s28 =	sor.u32 s29, s30  }
0x24: {  	s29 =	simm.s32 $0x400;
	s30 =	sor.u32 s22, s28;
	s28 =	smov.u32 s19  }
.LBB2_3:
0x25: {  	p0 =	sne.s32 s29, $0x1E00;
	s30 =	sshrl.u32 s30, $0x3;
	s28 =	sadd.s32 $0x400, s28  }
0x26: {  	[hbm4b:s28+s15] =	stream.strided.scatter [tilespmem:s21], [sflag:$0x2], $0x1000, s11, s15, $0x38;
	[tilespmem:$0x4000] =	vst v63  }
0x27: {  	s30 =	sadd.s32 s2, s30  }
0x28: {  	[hbm4b:s30+s16] =	stream.strided.scatter [tilespmem:s21], [sflag:$0x2], $0x400, s12, s16, $0x38;
	[tilespmem:$0x4000] =	vst v63  }
0x29: {  	s26 =	sadd.s32 $0x80, s26;
	s0 =	sand.u32 $0x1000, s29;
	s31 =	sadd.s32 $0x80, s30  }
0x2a: {  	[hbm4b:s31+s16] =	stream.strided.scatter [tilespmem:s23], [sflag:$0x2], $0x400, s12, s16, $0x38;
	[tilespmem:$0x4000] =	vst v63  }
.Ltmp0:
0x2b: {  	s1 =	sadd.s32 $0x2000, s30;
	s31 =	sand.u32 $0x380, s26;
	(pc) =	sbr.rel @p0 .LBB2_3-.Ltmp0, $4  }
0x2c: {  	[hbm4b:s1+s16] =	stream.strided.scatter [tilespmem:s25], [sflag:$0x2], $0x400, s12, s16, $0x38;
	[tilespmem:$0x4000] =	vst v63  }
0x2d: {  	s0 =	sor.u32 s0, s31;
	s1 =	sadd.s32 $0x2080, s30  }
0x2e: {  	[hbm4b:s1+s16] =	stream.strided.scatter [tilespmem:s24], [sflag:$0x2], $0x400, s12, s16, $0x38;
	[tilespmem:$0x4000] =	vst v63  }
0x2f: {  	s29 =	sadd.s32 $0x200, s29;
	s30 =	sor.u32 s22, s0  }
0x30: {  	s0 =	sshrl.u32 s30, $0x3;
	s1 =	sadd.s32 $0x400, s28  }
0x31: {  	[hbm4b:s1+s15] =	stream.strided.scatter [tilespmem:s21], [sflag:$0x2], $0x1000, s11, s15, $0x38;
	[tilespmem:$0x4000] =	vst v63  }
0x32: {  	s20 =	sadd.s32 $0x1, s20;
	s0 =	sadd.s32 s2, s0  }
0x33: {  	[hbm4b:s0+s16] =	stream.strided.scatter [tilespmem:s21], [sflag:$0x2], $0x400, s12, s16, $0x38;
	[tilespmem:$0x4000] =	vst v63  }
0x34: {  	p0 =	sne.s32 s20, $0x4;
	s30 =	sadd.s32 $0x80, s0  }
0x35: {  	[hbm4b:s30+s16] =	stream.strided.scatter [tilespmem:s23], [sflag:$0x2], $0x400, s12, s16, $0x38;
	[tilespmem:$0x4000] =	vst v63  }
.Ltmp1:
0x36: {  	_ = 	snop;
	(pc) =	sbr.rel @p0 .LBB2_2-.Ltmp1, $4  }
0x37: {  	s31 =	sadd.s32 $0x2000, s0  }
0x38: {  	[hbm4b:s31+s16] =	stream.strided.scatter [tilespmem:s25], [sflag:$0x2], $0x400, s12, s16, $0x38;
	[tilespmem:$0x4000] =	vst v63  }
0x39: {  	s19 =	sadd.s32 $0x80000, s19;
	s0 =	sadd.s32 $0x2080, s0  }
0x3a: {  	[hbm4b:s0+s16] =	stream.strided.scatter [tilespmem:s24], [sflag:$0x2], $0x400, s12, s16, $0x38;
	[tilespmem:$0x4000] =	vst v63  }
0x3b: {  	_ =	swait.ge [sflag:s17], $0x1000  }
0x3c: {  	s19 =	simm.s32 $0x7F;
	[sflag:s17] =	ssyncset.done $0x0  }
.LBB2_6:
0x3d: {  	p0 =	sne.s32 s19, $0x1;
	s19 =	sadd.s32 $0xFFFFFFFF, s19;
	[sflag:s17] =	ssyncadd.s32 $0xFFFFF000  }
.Ltmp2:
0x3e: {  	(pc) =	sbr.rel @p0 .LBB2_6-.Ltmp2, $3  }
0x3f: {  	_ =	sdelay $0x1  }
0x40: {  	_ =	swait.ge [sflag:s17], $0x1000  }
0x41: {  	[sflag:s17] =	ssyncset.done $0x0  }
0x42: {  	s18 =	sadd.s32 $0x1, s18  }
0x43: {  	p0 =	sne.s32 s18, s9  }
.Ltmp3:
0x44: {  	_ = 	snop;
	(pc) =	sbr.rel @p0 .LBB2_1-.Ltmp3, $2  }
0x45: {  	_ =	sdelay $0x2  }
0x46: {  	[sflag:s17] =	ssyncadd.s32 $0xFFFFF000  }
0x47: {  	_ =	sfence.sel $0x180000  }
0x48: {  	[bflag:$0x0] =	sbarrier.arrive $0xFFFF  }
0x49: {  	_ =	strace $0x90000047  }
0x4a: {  	s0 =	stileid.u32;
	[bflag:$0x2] =	sbarrier.arrive $0xFFFF  }
0x4b: {  	p0 =	sne.s32 s0, $0x0;
	s0 =	rddreg [dreg:$0x2]  }
0x4c: {  	s0 =	sadd.s32 @!p0 $0x100000, s0  }
0x4d: {  	[sflag:s0] =	ssyncadd.tile.s32 @!p0 $0x1;
	_ =	shalt  }
.Lfunc_end2:
_tile_overlayer_lowered:
.L_overlay_start_2:
0x4e: {  	(tag) =	ssettag $0x2  }
0x4f: {  	s0 =	rddreg [dreg:$0x0];
	s2 =	stileid.u32  }
0x50: {  	s1 =	rddreg [dreg:$0x1];
	p0 =	sne.s32 s2, $0x0  }
0x51: {  	s3 =	rddreg [dreg:$0x2];
	[bflag:$0x3] =	sbarrier.arrive $0xFFFF;
	s2 =	simm.s32 @!p0 $0x1C03  }
0x52: {  	[timem:s3], [sflag:s2] =	dma.local @!p0 [hbm:s0], s1  }
0x53: {  	s0 =	simm.s32 @!p0 $0x3  }
0x54: {  	_ =	swait.ge @!p0 [sflag:s0], s1  }
0x55: {  	s1 =	ssub.s32 @!p0 $0x0, s1;
	[sflag:s0] =	ssyncset.done @!p0 $0x0  }
0x56: {  	[sflag:s0] =	ssyncadd.s32 @!p0 s1  }
0x57: {  	[bflag:$0x3] =	sbarrier.arrive $0xFFFF  }
0x58: {  	_ =	shalt  }

</sc_bundles>
